<compile_context>
chip_gen: v7x
topology: tpu7x:2x2x1
jax: 0.10.2.dev20260603
libtpu: 0.0.44.dev20260713+nightly
codegen_flags: <defaults>
</compile_context>

<pallas_src>
import functools

import jax
import jax.numpy as jnp
from jax import lax
from jax.experimental import pallas as pl
from jax.experimental.pallas import tpu as pltpu
from jax.experimental.pallas import tpu_sc as plsc

TOPK = 2
NEXP = 8
BLOCK = 1024
NWORK = 32
NLANE = 16


def _matmul_kernel(x_ref, w_ref, logits_ref):
    logits_ref[...] = jax.lax.dot_general(
        w_ref[...], x_ref[...], (((1,), (1,)), ((), ())),
        preferred_element_type=jnp.float32,
    )


def _tc_logits(x, weight):
    n, h = x.shape
    return pl.pallas_call(
        _matmul_kernel,
        grid=(n // BLOCK,),
        in_specs=[
            pl.BlockSpec((BLOCK, h), lambda i: (i, 0)),
            pl.BlockSpec((NEXP, h), lambda i: (0, 0)),
        ],
        out_specs=pl.BlockSpec((NEXP, BLOCK), lambda i: (0, i)),
        out_shape=jax.ShapeDtypeStruct((NEXP, n), jnp.float32),
        compiler_params=pltpu.CompilerParams(
            dimension_semantics=("arbitrary",),
        ),
    )(x, weight)


def _make_sc_router(n):
    ntok = n // NWORK
    ngrp = ntok // NLANE
    mesh = plsc.VectorSubcoreMesh(core_axis_name="c", subcore_axis_name="s")

    @functools.partial(
        pl.kernel,
        mesh=mesh,
        out_type=[
            jax.ShapeDtypeStruct((TOPK, n), jnp.int32),
            jax.ShapeDtypeStruct((TOPK, n), jnp.float32),
        ],
        scratch_types=[
            pltpu.VMEM((NEXP, ntok), jnp.float32),
            pltpu.VMEM((TOPK, ntok), jnp.int32),
            pltpu.VMEM((TOPK, ntok), jnp.float32),
            pltpu.SemaphoreType.DMA,
        ],
    )
    def sc_router(logits_hbm, idx_hbm, wgt_hbm, lbuf, ibuf, wbuf, sem):
        wid = lax.axis_index("s") * 2 + lax.axis_index("c")
        base = wid * ntok
        pltpu.async_copy(
            logits_hbm.at[:, pl.ds(base, ntok)], lbuf, sem
        ).wait()

        neg_inf = jnp.full((NLANE,), -jnp.inf, jnp.float32)

        def body(g, carry):
            off = g * NLANE
            ls = [lbuf[e, pl.ds(off, NLANE)] for e in range(NEXP)]
            m1 = ls[0]
            for e in range(1, NEXP):
                m1 = jnp.maximum(m1, ls[e])
            idx1 = jnp.full((NLANE,), NEXP, jnp.int32)
            for e in range(NEXP - 1, -1, -1):
                idx1 = jnp.where(ls[e] == m1, e, idx1)
            m2 = neg_inf
            for e in range(NEXP):
                m2 = jnp.maximum(m2, jnp.where(idx1 == e, neg_inf, ls[e]))
            idx2 = jnp.full((NLANE,), NEXP, jnp.int32)
            for e in range(NEXP - 1, -1, -1):
                idx2 = jnp.where((ls[e] == m2) & (idx1 != e), e, idx2)
            z = jnp.zeros((NLANE,), jnp.float32)
            for e in range(NEXP):
                z = z + jnp.exp(ls[e] - m1)
            w1 = 1.0 / z
            w2 = jnp.exp(m2 - m1) / z
            ibuf[0, pl.ds(off, NLANE)] = idx1
            ibuf[1, pl.ds(off, NLANE)] = idx2
            wbuf[0, pl.ds(off, NLANE)] = w1
            wbuf[1, pl.ds(off, NLANE)] = w2
            return carry

        lax.fori_loop(0, ngrp, body, 0)
        pltpu.sync_copy(ibuf, idx_hbm.at[:, pl.ds(base, ntok)])
        pltpu.sync_copy(wbuf, wgt_hbm.at[:, pl.ds(base, ntok)])

    return sc_router


@jax.jit
def kernel(hidden_states, weight):
    bsz, seq_len, h = hidden_states.shape
    n = bsz * seq_len
    x = hidden_states.reshape(n, h)

    logits = _tc_logits(x, weight)
    idx_t, wgt_t = _make_sc_router(n)(logits)
    return idx_t.T, wgt_t.T

# --- scband reference (transcript-rebuilt; emitter-appended) ---
"""Pipeline reference for scband-mo-egate-64733747085413 (READ-ONLY COPY).

The authoritative reference and input builder live on the scoring server;
editing this copy changes nothing except your own understanding.
"""

import jax, jax.numpy as jnp
import numpy as np

TOP_K = 2
NUM_EXPERTS = 8

def setup_inputs(seed: int = 0) -> dict:
    key = jax.random.key(seed)
    k1, k2 = jax.random.split(key)
    B, S, D = 4, 4096, 2048
    hidden_states = jax.random.normal(k1, (B, S, D), dtype=jnp.float32)
    # gate weight parameter, shape (num_experts, embed_dim)
    weight = jax.random.normal(k2, (NUM_EXPERTS, D), dtype=jnp.float32) * 0.02
    return {"hidden_states": hidden_states, "weight": weight}

def reference(hidden_states, weight):
    bsz, seq_len, h = hidden_states.shape
    x = hidden_states.reshape(-1, h)
    # F.linear(x, w) == x @ w.T
    logits = x @ weight.T
    scores = jax.nn.softmax(logits, axis=-1)
    topk_weight, topk_idx = jax.lax.top_k(scores, TOP_K)
    return (topk_idx, topk_weight)

if __name__ == "__main__":
    import jax
    _d = setup_inputs()
    print(jax.jit(kernel)(*tuple(_d.values())))

</pallas_src>

<mosaic_0001>
#map = affine_map<(d0, d1) -> (0, 0)>
module attributes {stable_mosaic.version = 14 : i64} {
  func.func @sc_router(%arg0: i32, %arg1: i32, %arg2: memref<8x16384xf32, #tpu.memory_space<hbm>>, %arg3: memref<2x16384xi32, #tpu.memory_space<hbm>>, %arg4: memref<2x16384xf32, #tpu.memory_space<hbm>>, %arg5: memref<8x512xf32, #tpu.memory_space<vmem>>, %arg6: memref<2x512xi32, #tpu.memory_space<vmem>>, %arg7: memref<2x512xf32, #tpu.memory_space<vmem>>, %arg8: memref<!tpu.dma_semaphore, #tpu.memory_space<semaphore_mem>>) attributes {dimension_semantics = [#tpu.dimension_semantics<core_parallel>, #tpu.dimension_semantics<subcore_parallel>], iteration_bounds = array<i64: 2, 16>, scalar_prefetch = 0 : i64, scratch_operands = 4 : i64, tpu.core_type = #tpu.core_type<sc_vector_subcore>, window_params = [{transform_indices = #map}, {transform_indices = #map}, {transform_indices = #map}]} {
    %mul3A = arith.constant 2 : i32
    %mul3A_0 = arith.muli %arg1, %mul3A : i32
    %add3A = arith.addi %mul3A_0, %arg0 : i32
    %mul3A_1 = arith.constant 512 : i32
    %mul3A_2 = arith.muli %add3A, %mul3A_1 : i32
    %dma_start3A = arith.constant 0 : i32
    %dma_start3A_3 = tpu.memref_slice %arg2[%dma_start3A, %mul3A_2] : memref<8x16384xf32, #tpu.memory_space<hbm>> -> memref<8x512xf32, #tpu.memory_space<hbm>>
    %dma_start3A_4 = arith.constant 0 : i32
    %dma_start3A_5 = tpu.memref_slice %arg2[%dma_start3A_4, %mul3A_2] : memref<8x16384xf32, #tpu.memory_space<hbm>> -> memref<8x512xf32, #tpu.memory_space<hbm>>
    tpu.enqueue_dma source(%dma_start3A_5 : memref<8x512xf32, #tpu.memory_space<hbm>>) target(%arg5 : memref<8x512xf32, #tpu.memory_space<vmem>>) target_semaphore(%arg8 : memref<!tpu.dma_semaphore, #tpu.memory_space<semaphore_mem>>)
    %dma_wait3A = arith.constant 0 : i32
    %dma_wait3A_6 = tpu.memref_slice %arg2[%dma_wait3A, %mul3A_2] : memref<8x16384xf32, #tpu.memory_space<hbm>> -> memref<8x512xf32, #tpu.memory_space<hbm>>
    %dma_wait3A_7 = arith.constant 0 : i32
    %dma_wait3A_8 = tpu.memref_slice %arg2[%dma_wait3A_7, %mul3A_2] : memref<8x16384xf32, #tpu.memory_space<hbm>> -> memref<8x512xf32, #tpu.memory_space<hbm>>
    tpu.wait_dma2 semaphore(%arg8 : memref<!tpu.dma_semaphore, #tpu.memory_space<semaphore_mem>>) src(%dma_wait3A_8 : memref<8x512xf32, #tpu.memory_space<hbm>>) dst(%arg5 : memref<8x512xf32, #tpu.memory_space<vmem>>)
    %broadcast_in_dim3A = arith.constant 0xFF800000 : f32
    %broadcast_in_dim3A_9 = vector.broadcast %broadcast_in_dim3A : f32 to vector<16xf32>
    %scan3A = arith.constant 0 : i32
    %scan3A_10 = arith.constant 0 : i32
    %scan3A_11 = arith.constant 32 : i32
    %scan3A_12 = arith.addi %scan3A_10, %scan3A_11 : i32
    %scan3A_13 = arith.constant 1 : i32
    scf.for %scan3A_15 = %scan3A_10 to %scan3A_12 step %scan3A_13  : i32 {
      %mul3A_16 = arith.constant 16 : i32
      %mul3A_17 = arith.muli %scan3A_15, %mul3A_16 : i32
      %get3A = arith.constant 0 : i32
      %get3A_18 = arith.index_cast %get3A : i32 to index
      %get3A_19 = arith.index_cast %mul3A_17 : i32 to index
      %get3A_20 = tpu.vector_load %arg5[%get3A_18, %get3A_19] {strides = array<i32>} : memref<8x512xf32, #tpu.memory_space<vmem>>, vector<1x16xf32>,
      %get3A_21 = vector.shape_cast %get3A_20 : vector<1x16xf32> to vector<16xf32>
      %get3A_22 = arith.constant 1 : i32
      %get3A_23 = arith.index_cast %get3A_22 : i32 to index
      %get3A_24 = arith.index_cast %mul3A_17 : i32 to index
      %get3A_25 = tpu.vector_load %arg5[%get3A_23, %get3A_24] {strides = array<i32>} : memref<8x512xf32, #tpu.memory_space<vmem>>, vector<1x16xf32>,
      %get3A_26 = vector.shape_cast %get3A_25 : vector<1x16xf32> to vector<16xf32>
      %get3A_27 = arith.constant 2 : i32
      %get3A_28 = arith.index_cast %get3A_27 : i32 to index
      %get3A_29 = arith.index_cast %mul3A_17 : i32 to index
      %get3A_30 = tpu.vector_load %arg5[%get3A_28, %get3A_29] {strides = array<i32>} : memref<8x512xf32, #tpu.memory_space<vmem>>, vector<1x16xf32>,
      %get3A_31 = vector.shape_cast %get3A_30 : vector<1x16xf32> to vector<16xf32>
      %get3A_32 = arith.constant 3 : i32
      %get3A_33 = arith.index_cast %get3A_32 : i32 to index
      %get3A_34 = arith.index_cast %mul3A_17 : i32 to index
      %get3A_35 = tpu.vector_load %arg5[%get3A_33, %get3A_34] {strides = array<i32>} : memref<8x512xf32, #tpu.memory_space<vmem>>, vector<1x16xf32>,
      %get3A_36 = vector.shape_cast %get3A_35 : vector<1x16xf32> to vector<16xf32>
      %get3A_37 = arith.constant 4 : i32
      %get3A_38 = arith.index_cast %get3A_37 : i32 to index
      %get3A_39 = arith.index_cast %mul3A_17 : i32 to index
      %get3A_40 = tpu.vector_load %arg5[%get3A_38, %get3A_39] {strides = array<i32>} : memref<8x512xf32, #tpu.memory_space<vmem>>, vector<1x16xf32>,
      %get3A_41 = vector.shape_cast %get3A_40 : vector<1x16xf32> to vector<16xf32>
      %get3A_42 = arith.constant 5 : i32
      %get3A_43 = arith.index_cast %get3A_42 : i32 to index
      %get3A_44 = arith.index_cast %mul3A_17 : i32 to index
      %get3A_45 = tpu.vector_load %arg5[%get3A_43, %get3A_44] {strides = array<i32>} : memref<8x512xf32, #tpu.memory_space<vmem>>, vector<1x16xf32>,
      %get3A_46 = vector.shape_cast %get3A_45 : vector<1x16xf32> to vector<16xf32>
      %get3A_47 = arith.constant 6 : i32
      %get3A_48 = arith.index_cast %get3A_47 : i32 to index
      %get3A_49 = arith.index_cast %mul3A_17 : i32 to index
      %get3A_50 = tpu.vector_load %arg5[%get3A_48, %get3A_49] {strides = array<i32>} : memref<8x512xf32, #tpu.memory_space<vmem>>, vector<1x16xf32>,
      %get3A_51 = vector.shape_cast %get3A_50 : vector<1x16xf32> to vector<16xf32>
      %get3A_52 = arith.constant 7 : i32
      %get3A_53 = arith.index_cast %get3A_52 : i32 to index
      %get3A_54 = arith.index_cast %mul3A_17 : i32 to index
      %get3A_55 = tpu.vector_load %arg5[%get3A_53, %get3A_54] {strides = array<i32>} : memref<8x512xf32, #tpu.memory_space<vmem>>, vector<1x16xf32>,
      %get3A_56 = vector.shape_cast %get3A_55 : vector<1x16xf32> to vector<16xf32>
      %max3A = arith.maximumf %get3A_21, %get3A_26 : vector<16xf32>
      %max3A_57 = arith.maximumf %max3A, %get3A_31 : vector<16xf32>
      %max3A_58 = arith.maximumf %max3A_57, %get3A_36 : vector<16xf32>
      %max3A_59 = arith.maximumf %max3A_58, %get3A_41 : vector<16xf32>
      %max3A_60 = arith.maximumf %max3A_59, %get3A_46 : vector<16xf32>
      %max3A_61 = arith.maximumf %max3A_60, %get3A_51 : vector<16xf32>
      %max3A_62 = arith.maximumf %max3A_61, %get3A_56 : vector<16xf32>
      %broadcast_in_dim3A_63 = arith.constant 8 : i32
      %broadcast_in_dim3A_64 = vector.broadcast %broadcast_in_dim3A_63 : i32 to vector<16xi32>
      %eq3A = arith.cmpf oeq, %get3A_56, %max3A_62 : vector<16xf32>
      %jit3A = arith.constant 7 : i32
      %broadcast_in_dim3A_65 = vector.broadcast %jit3A : i32 to vector<16xi32>
      %select_n3A = arith.select %eq3A, %broadcast_in_dim3A_65, %broadcast_in_dim3A_64 : vector<16xi1>, vector<16xi32>
      %eq3A_66 = arith.cmpf oeq, %get3A_51, %max3A_62 : vector<16xf32>
      %jit3A_67 = arith.constant 6 : i32
      %broadcast_in_dim3A_68 = vector.broadcast %jit3A_67 : i32 to vector<16xi32>
      %select_n3A_69 = arith.select %eq3A_66, %broadcast_in_dim3A_68, %select_n3A : vector<16xi1>, vector<16xi32>
      %eq3A_70 = arith.cmpf oeq, %get3A_46, %max3A_62 : vector<16xf32>
      %jit3A_71 = arith.constant 5 : i32
      %broadcast_in_dim3A_72 = vector.broadcast %jit3A_71 : i32 to vector<16xi32>
      %select_n3A_73 = arith.select %eq3A_70, %broadcast_in_dim3A_72, %select_n3A_69 : vector<16xi1>, vector<16xi32>
      %eq3A_74 = arith.cmpf oeq, %get3A_41, %max3A_62 : vector<16xf32>
      %jit3A_75 = arith.constant 4 : i32
      %broadcast_in_dim3A_76 = vector.broadcast %jit3A_75 : i32 to vector<16xi32>
      %select_n3A_77 = arith.select %eq3A_74, %broadcast_in_dim3A_76, %select_n3A_73 : vector<16xi1>, vector<16xi32>
      %eq3A_78 = arith.cmpf oeq, %get3A_36, %max3A_62 : vector<16xf32>
      %jit3A_79 = arith.constant 3 : i32
      %broadcast_in_dim3A_80 = vector.broadcast %jit3A_79 : i32 to vector<16xi32>
      %select_n3A_81 = arith.select %eq3A_78, %broadcast_in_dim3A_80, %select_n3A_77 : vector<16xi1>, vector<16xi32>
      %eq3A_82 = arith.cmpf oeq, %get3A_31, %max3A_62 : vector<16xf32>
      %jit3A_83 = arith.constant 2 : i32
      %broadcast_in_dim3A_84 = vector.broadcast %jit3A_83 : i32 to vector<16xi32>
      %select_n3A_85 = arith.select %eq3A_82, %broadcast_in_dim3A_84, %select_n3A_81 : vector<16xi1>, vector<16xi32>
      %eq3A_86 = arith.cmpf oeq, %get3A_26, %max3A_62 : vector<16xf32>
      %jit3A_87 = arith.constant 1 : i32
      %broadcast_in_dim3A_88 = vector.broadcast %jit3A_87 : i32 to vector<16xi32>
      %select_n3A_89 = arith.select %eq3A_86, %broadcast_in_dim3A_88, %select_n3A_85 : vector<16xi1>, vector<16xi32>
      %eq3A_90 = arith.cmpf oeq, %get3A_21, %max3A_62 : vector<16xf32>
      %jit3A_91 = arith.constant 0 : i32
      %broadcast_in_dim3A_92 = vector.broadcast %jit3A_91 : i32 to vector<16xi32>
      %select_n3A_93 = arith.select %eq3A_90, %broadcast_in_dim3A_92, %select_n3A_89 : vector<16xi1>, vector<16xi32>
      %eq3A_94 = arith.constant 0 : i32
      %eq3A_95 = vector.broadcast %eq3A_94 : i32 to vector<16xi32>
      %eq3A_96 = arith.cmpi eq, %select_n3A_93, %eq3A_95 : vector<16xi32>
      %select_n3A_97 = arith.select %eq3A_96, %broadcast_in_dim3A_9, %get3A_21 : vector<16xi1>, vector<16xf32>
      %max3A_98 = arith.maximumf %broadcast_in_dim3A_9, %select_n3A_97 : vector<16xf32>
      %eq3A_99 = arith.constant 1 : i32
      %eq3A_100 = vector.broadcast %eq3A_99 : i32 to vector<16xi32>
      %eq3A_101 = arith.cmpi eq, %select_n3A_93, %eq3A_100 : vector<16xi32>
      %select_n3A_102 = arith.select %eq3A_101, %broadcast_in_dim3A_9, %get3A_26 : vector<16xi1>, vector<16xf32>
      %max3A_103 = arith.maximumf %max3A_98, %select_n3A_102 : vector<16xf32>
      %eq3A_104 = arith.constant 2 : i32
      %eq3A_105 = vector.broadcast %eq3A_104 : i32 to vector<16xi32>
      %eq3A_106 = arith.cmpi eq, %select_n3A_93, %eq3A_105 : vector<16xi32>
      %select_n3A_107 = arith.select %eq3A_106, %broadcast_in_dim3A_9, %get3A_31 : vector<16xi1>, vector<16xf32>
      %max3A_108 = arith.maximumf %max3A_103, %select_n3A_107 : vector<16xf32>
      %eq3A_109 = arith.constant 3 : i32
      %eq3A_110 = vector.broadcast %eq3A_109 : i32 to vector<16xi32>
      %eq3A_111 = arith.cmpi eq, %select_n3A_93, %eq3A_110 : vector<16xi32>
      %select_n3A_112 = arith.select %eq3A_111, %broadcast_in_dim3A_9, %get3A_36 : vector<16xi1>, vector<16xf32>
      %max3A_113 = arith.maximumf %max3A_108, %select_n3A_112 : vector<16xf32>
      %eq3A_114 = arith.constant 4 : i32
      %eq3A_115 = vector.broadcast %eq3A_114 : i32 to vector<16xi32>
      %eq3A_116 = arith.cmpi eq, %select_n3A_93, %eq3A_115 : vector<16xi32>
      %select_n3A_117 = arith.select %eq3A_116, %broadcast_in_dim3A_9, %get3A_41 : vector<16xi1>, vector<16xf32>
      %max3A_118 = arith.maximumf %max3A_113, %select_n3A_117 : vector<16xf32>
      %eq3A_119 = arith.constant 5 : i32
      %eq3A_120 = vector.broadcast %eq3A_119 : i32 to vector<16xi32>
      %eq3A_121 = arith.cmpi eq, %select_n3A_93, %eq3A_120 : vector<16xi32>
      %select_n3A_122 = arith.select %eq3A_121, %broadcast_in_dim3A_9, %get3A_46 : vector<16xi1>, vector<16xf32>
      %max3A_123 = arith.maximumf %max3A_118, %select_n3A_122 : vector<16xf32>
      %eq3A_124 = arith.constant 6 : i32
      %eq3A_125 = vector.broadcast %eq3A_124 : i32 to vector<16xi32>
      %eq3A_126 = arith.cmpi eq, %select_n3A_93, %eq3A_125 : vector<16xi32>
      %select_n3A_127 = arith.select %eq3A_126, %broadcast_in_dim3A_9, %get3A_51 : vector<16xi1>, vector<16xf32>
      %max3A_128 = arith.maximumf %max3A_123, %select_n3A_127 : vector<16xf32>
      %eq3A_129 = arith.constant 7 : i32
      %eq3A_130 = vector.broadcast %eq3A_129 : i32 to vector<16xi32>
      %eq3A_131 = arith.cmpi eq, %select_n3A_93, %eq3A_130 : vector<16xi32>
      %select_n3A_132 = arith.select %eq3A_131, %broadcast_in_dim3A_9, %get3A_56 : vector<16xi1>, vector<16xf32>
      %max3A_133 = arith.maximumf %max3A_128, %select_n3A_132 : vector<16xf32>
      %broadcast_in_dim3A_134 = arith.constant 8 : i32
      %broadcast_in_dim3A_135 = vector.broadcast %broadcast_in_dim3A_134 : i32 to vector<16xi32>
      %eq3A_136 = arith.cmpf oeq, %get3A_56, %max3A_133 : vector<16xf32>
      %ne3A = arith.constant 7 : i32
      %ne3A_137 = vector.broadcast %ne3A : i32 to vector<16xi32>
      %ne3A_138 = arith.cmpi ne, %select_n3A_93, %ne3A_137 : vector<16xi32>
      %and3A = arith.andi %eq3A_136, %ne3A_138 : vector<16xi1>
      %jit3A_139 = arith.constant 7 : i32
      %broadcast_in_dim3A_140 = vector.broadcast %jit3A_139 : i32 to vector<16xi32>
      %select_n3A_141 = arith.select %and3A, %broadcast_in_dim3A_140, %broadcast_in_dim3A_135 : vector<16xi1>, vector<16xi32>
      %eq3A_142 = arith.cmpf oeq, %get3A_51, %max3A_133 : vector<16xf32>
      %ne3A_143 = arith.constant 6 : i32
      %ne3A_144 = vector.broadcast %ne3A_143 : i32 to vector<16xi32>
      %ne3A_145 = arith.cmpi ne, %select_n3A_93, %ne3A_144 : vector<16xi32>
      %and3A_146 = arith.andi %eq3A_142, %ne3A_145 : vector<16xi1>
      %jit3A_147 = arith.constant 6 : i32
      %broadcast_in_dim3A_148 = vector.broadcast %jit3A_147 : i32 to vector<16xi32>
      %select_n3A_149 = arith.select %and3A_146, %broadcast_in_dim3A_148, %select_n3A_141 : vector<16xi1>, vector<16xi32>
      %eq3A_150 = arith.cmpf oeq, %get3A_46, %max3A_133 : vector<16xf32>
      %ne3A_151 = arith.constant 5 : i32
      %ne3A_152 = vector.broadcast %ne3A_151 : i32 to vector<16xi32>
      %ne3A_153 = arith.cmpi ne, %select_n3A_93, %ne3A_152 : vector<16xi32>
      %and3A_154 = arith.andi %eq3A_150, %ne3A_153 : vector<16xi1>
      %jit3A_155 = arith.constant 5 : i32
      %broadcast_in_dim3A_156 = vector.broadcast %jit3A_155 : i32 to vector<16xi32>
      %select_n3A_157 = arith.select %and3A_154, %broadcast_in_dim3A_156, %select_n3A_149 : vector<16xi1>, vector<16xi32>
      %eq3A_158 = arith.cmpf oeq, %get3A_41, %max3A_133 : vector<16xf32>
      %ne3A_159 = arith.constant 4 : i32
      %ne3A_160 = vector.broadcast %ne3A_159 : i32 to vector<16xi32>
      %ne3A_161 = arith.cmpi ne, %select_n3A_93, %ne3A_160 : vector<16xi32>
      %and3A_162 = arith.andi %eq3A_158, %ne3A_161 : vector<16xi1>
      %jit3A_163 = arith.constant 4 : i32
      %broadcast_in_dim3A_164 = vector.broadcast %jit3A_163 : i32 to vector<16xi32>
      %select_n3A_165 = arith.select %and3A_162, %broadcast_in_dim3A_164, %select_n3A_157 : vector<16xi1>, vector<16xi32>
      %eq3A_166 = arith.cmpf oeq, %get3A_36, %max3A_133 : vector<16xf32>
      %ne3A_167 = arith.constant 3 : i32
      %ne3A_168 = vector.broadcast %ne3A_167 : i32 to vector<16xi32>
      %ne3A_169 = arith.cmpi ne, %select_n3A_93, %ne3A_168 : vector<16xi32>
      %and3A_170 = arith.andi %eq3A_166, %ne3A_169 : vector<16xi1>
      %jit3A_171 = arith.constant 3 : i32
      %broadcast_in_dim3A_172 = vector.broadcast %jit3A_171 : i32 to vector<16xi32>
      %select_n3A_173 = arith.select %and3A_170, %broadcast_in_dim3A_172, %select_n3A_165 : vector<16xi1>, vector<16xi32>
      %eq3A_174 = arith.cmpf oeq, %get3A_31, %max3A_133 : vector<16xf32>
      %ne3A_175 = arith.constant 2 : i32
      %ne3A_176 = vector.broadcast %ne3A_175 : i32 to vector<16xi32>
      %ne3A_177 = arith.cmpi ne, %select_n3A_93, %ne3A_176 : vector<16xi32>
      %and3A_178 = arith.andi %eq3A_174, %ne3A_177 : vector<16xi1>
      %jit3A_179 = arith.constant 2 : i32
      %broadcast_in_dim3A_180 = vector.broadcast %jit3A_179 : i32 to vector<16xi32>
      %select_n3A_181 = arith.select %and3A_178, %broadcast_in_dim3A_180, %select_n3A_173 : vector<16xi1>, vector<16xi32>
      %eq3A_182 = arith.cmpf oeq, %get3A_26, %max3A_133 : vector<16xf32>
      %ne3A_183 = arith.constant 1 : i32
      %ne3A_184 = vector.broadcast %ne3A_183 : i32 to vector<16xi32>
      %ne3A_185 = arith.cmpi ne, %select_n3A_93, %ne3A_184 : vector<16xi32>
      %and3A_186 = arith.andi %eq3A_182, %ne3A_185 : vector<16xi1>
      %jit3A_187 = arith.constant 1 : i32
      %broadcast_in_dim3A_188 = vector.broadcast %jit3A_187 : i32 to vector<16xi32>
      %select_n3A_189 = arith.select %and3A_186, %broadcast_in_dim3A_188, %select_n3A_181 : vector<16xi1>, vector<16xi32>
      %eq3A_190 = arith.cmpf oeq, %get3A_21, %max3A_133 : vector<16xf32>
      %ne3A_191 = arith.constant 0 : i32
      %ne3A_192 = vector.broadcast %ne3A_191 : i32 to vector<16xi32>
      %ne3A_193 = arith.cmpi ne, %select_n3A_93, %ne3A_192 : vector<16xi32>
      %and3A_194 = arith.andi %eq3A_190, %ne3A_193 : vector<16xi1>
      %jit3A_195 = arith.constant 0 : i32
      %broadcast_in_dim3A_196 = vector.broadcast %jit3A_195 : i32 to vector<16xi32>
      %select_n3A_197 = arith.select %and3A_194, %broadcast_in_dim3A_196, %select_n3A_189 : vector<16xi1>, vector<16xi32>
      %broadcast_in_dim3A_198 = arith.constant 0.000000e+00 : f32
      %broadcast_in_dim3A_199 = vector.broadcast %broadcast_in_dim3A_198 : f32 to vector<16xf32>
      %sub3A = arith.subf %get3A_21, %max3A_62 : vector<16xf32>
      %exp3A = math.exp %sub3A : vector<16xf32>
      %add3A_200 = arith.addf %broadcast_in_dim3A_199, %exp3A : vector<16xf32>
      %sub3A_201 = arith.subf %get3A_26, %max3A_62 : vector<16xf32>
      %exp3A_202 = math.exp %sub3A_201 : vector<16xf32>
      %add3A_203 = arith.addf %add3A_200, %exp3A_202 : vector<16xf32>
      %sub3A_204 = arith.subf %get3A_31, %max3A_62 : vector<16xf32>
      %exp3A_205 = math.exp %sub3A_204 : vector<16xf32>
      %add3A_206 = arith.addf %add3A_203, %exp3A_205 : vector<16xf32>
      %sub3A_207 = arith.subf %get3A_36, %max3A_62 : vector<16xf32>
      %exp3A_208 = math.exp %sub3A_207 : vector<16xf32>
      %add3A_209 = arith.addf %add3A_206, %exp3A_208 : vector<16xf32>
      %sub3A_210 = arith.subf %get3A_41, %max3A_62 : vector<16xf32>
      %exp3A_211 = math.exp %sub3A_210 : vector<16xf32>
      %add3A_212 = arith.addf %add3A_209, %exp3A_211 : vector<16xf32>
      %sub3A_213 = arith.subf %get3A_46, %max3A_62 : vector<16xf32>
      %exp3A_214 = math.exp %sub3A_213 : vector<16xf32>
      %add3A_215 = arith.addf %add3A_212, %exp3A_214 : vector<16xf32>
      %sub3A_216 = arith.subf %get3A_51, %max3A_62 : vector<16xf32>
      %exp3A_217 = math.exp %sub3A_216 : vector<16xf32>
      %add3A_218 = arith.addf %add3A_215, %exp3A_217 : vector<16xf32>
      %sub3A_219 = arith.subf %get3A_56, %max3A_62 : vector<16xf32>
      %exp3A_220 = math.exp %sub3A_219 : vector<16xf32>
      %add3A_221 = arith.addf %add3A_218, %exp3A_220 : vector<16xf32>
      %div3A = arith.constant 1.000000e+00 : f32
      %div3A_222 = vector.broadcast %div3A : f32 to vector<16xf32>
      %div3A_223 = arith.divf %div3A_222, %add3A_221 : vector<16xf32>
      %sub3A_224 = arith.subf %max3A_133, %max3A_62 : vector<16xf32>
      %exp3A_225 = math.exp %sub3A_224 : vector<16xf32>
      %div3A_226 = arith.divf %exp3A_225, %add3A_221 : vector<16xf32>
      %swap3A = arith.constant 0 : i32
      %swap3A_227 = arith.index_cast %swap3A : i32 to index
      %swap3A_228 = arith.index_cast %mul3A_17 : i32 to index
      %swap3A_229 = tpu.vector_load %arg6[%swap3A_227, %swap3A_228] {strides = array<i32>} : memref<2x512xi32, #tpu.memory_space<vmem>>, vector<1x16xi32>,
      %swap3A_230 = vector.shape_cast %swap3A_229 : vector<1x16xi32> to vector<16xi32>
      %swap3A_231 = vector.shape_cast %select_n3A_93 : vector<16xi32> to vector<1x16xi32>
      tpu.vector_store %arg6[%swap3A_227, %swap3A_228], %swap3A_231 {strides = array<i32>} : memref<2x512xi32, #tpu.memory_space<vmem>>, vector<1x16xi32>,
      %swap3A_232 = arith.constant 1 : i32
      %swap3A_233 = arith.index_cast %swap3A_232 : i32 to index
      %swap3A_234 = arith.index_cast %mul3A_17 : i32 to index
      %swap3A_235 = tpu.vector_load %arg6[%swap3A_233, %swap3A_234] {strides = array<i32>} : memref<2x512xi32, #tpu.memory_space<vmem>>, vector<1x16xi32>,
      %swap3A_236 = vector.shape_cast %swap3A_235 : vector<1x16xi32> to vector<16xi32>
      %swap3A_237 = vector.shape_cast %select_n3A_197 : vector<16xi32> to vector<1x16xi32>
      tpu.vector_store %arg6[%swap3A_233, %swap3A_234], %swap3A_237 {strides = array<i32>} : memref<2x512xi32, #tpu.memory_space<vmem>>, vector<1x16xi32>,
      %swap3A_238 = arith.constant 0 : i32
      %swap3A_239 = arith.index_cast %swap3A_238 : i32 to index
      %swap3A_240 = arith.index_cast %mul3A_17 : i32 to index
      %swap3A_241 = tpu.vector_load %arg7[%swap3A_239, %swap3A_240] {strides = array<i32>} : memref<2x512xf32, #tpu.memory_space<vmem>>, vector<1x16xf32>,
      %swap3A_242 = vector.shape_cast %swap3A_241 : vector<1x16xf32> to vector<16xf32>
      %swap3A_243 = vector.shape_cast %div3A_223 : vector<16xf32> to vector<1x16xf32>
      tpu.vector_store %arg7[%swap3A_239, %swap3A_240], %swap3A_243 {strides = array<i32>} : memref<2x512xf32, #tpu.memory_space<vmem>>, vector<1x16xf32>,
      %swap3A_244 = arith.constant 1 : i32
      %swap3A_245 = arith.index_cast %swap3A_244 : i32 to index
      %swap3A_246 = arith.index_cast %mul3A_17 : i32 to index
      %swap3A_247 = tpu.vector_load %arg7[%swap3A_245, %swap3A_246] {strides = array<i32>} : memref<2x512xf32, #tpu.memory_space<vmem>>, vector<1x16xf32>,
      %swap3A_248 = vector.shape_cast %swap3A_247 : vector<1x16xf32> to vector<16xf32>
      %swap3A_249 = vector.shape_cast %div3A_226 : vector<16xf32> to vector<1x16xf32>
      tpu.vector_store %arg7[%swap3A_245, %swap3A_246], %swap3A_249 {strides = array<i32>} : memref<2x512xf32, #tpu.memory_space<vmem>>, vector<1x16xf32>,
    }
    %scan3A_14 = arith.constant 32 : i32
    "tpu.region"() ({
      %run_scoped3A = tpu.sem_alloc : memref<!tpu.dma_semaphore, #tpu.memory_space<semaphore_mem>>
      %dma_start3A_15 = arith.constant 0 : i32
      %dma_start3A_16 = tpu.memref_slice %arg3[%dma_start3A_15, %mul3A_2] : memref<2x16384xi32, #tpu.memory_space<hbm>> -> memref<2x512xi32, #tpu.memory_space<hbm>>
      %dma_start3A_17 = arith.constant 0 : i32
      %dma_start3A_18 = tpu.memref_slice %arg3[%dma_start3A_17, %mul3A_2] : memref<2x16384xi32, #tpu.memory_space<hbm>> -> memref<2x512xi32, #tpu.memory_space<hbm>>
      tpu.enqueue_dma source(%arg6 : memref<2x512xi32, #tpu.memory_space<vmem>>) target(%dma_start3A_18 : memref<2x512xi32, #tpu.memory_space<hbm>>) target_semaphore(%run_scoped3A : memref<!tpu.dma_semaphore, #tpu.memory_space<semaphore_mem>>)
      %dma_wait3A_19 = arith.constant 0 : i32
      %dma_wait3A_20 = tpu.memref_slice %arg3[%dma_wait3A_19, %mul3A_2] : memref<2x16384xi32, #tpu.memory_space<hbm>> -> memref<2x512xi32, #tpu.memory_space<hbm>>
      %dma_wait3A_21 = arith.constant 0 : i32
      %dma_wait3A_22 = tpu.memref_slice %arg3[%dma_wait3A_21, %mul3A_2] : memref<2x16384xi32, #tpu.memory_space<hbm>> -> memref<2x512xi32, #tpu.memory_space<hbm>>
      tpu.wait_dma2 semaphore(%run_scoped3A : memref<!tpu.dma_semaphore, #tpu.memory_space<semaphore_mem>>) src(%arg6 : memref<2x512xi32, #tpu.memory_space<vmem>>) dst(%dma_wait3A_22 : memref<2x512xi32, #tpu.memory_space<hbm>>)
      tpu.yield
    }) : () -> ()
    "tpu.region"() ({
      %run_scoped3A = tpu.sem_alloc : memref<!tpu.dma_semaphore, #tpu.memory_space<semaphore_mem>>
      %dma_start3A_15 = arith.constant 0 : i32
      %dma_start3A_16 = tpu.memref_slice %arg4[%dma_start3A_15, %mul3A_2] : memref<2x16384xf32, #tpu.memory_space<hbm>> -> memref<2x512xf32, #tpu.memory_space<hbm>>
      %dma_start3A_17 = arith.constant 0 : i32
      %dma_start3A_18 = tpu.memref_slice %arg4[%dma_start3A_17, %mul3A_2] : memref<2x16384xf32, #tpu.memory_space<hbm>> -> memref<2x512xf32, #tpu.memory_space<hbm>>
      tpu.enqueue_dma source(%arg7 : memref<2x512xf32, #tpu.memory_space<vmem>>) target(%dma_start3A_18 : memref<2x512xf32, #tpu.memory_space<hbm>>) target_semaphore(%run_scoped3A : memref<!tpu.dma_semaphore, #tpu.memory_space<semaphore_mem>>)
      %dma_wait3A_19 = arith.constant 0 : i32
      %dma_wait3A_20 = tpu.memref_slice %arg4[%dma_wait3A_19, %mul3A_2] : memref<2x16384xf32, #tpu.memory_space<hbm>> -> memref<2x512xf32, #tpu.memory_space<hbm>>
      %dma_wait3A_21 = arith.constant 0 : i32
      %dma_wait3A_22 = tpu.memref_slice %arg4[%dma_wait3A_21, %mul3A_2] : memref<2x16384xf32, #tpu.memory_space<hbm>> -> memref<2x512xf32, #tpu.memory_space<hbm>>
      tpu.wait_dma2 semaphore(%run_scoped3A : memref<!tpu.dma_semaphore, #tpu.memory_space<semaphore_mem>>) src(%arg7 : memref<2x512xf32, #tpu.memory_space<vmem>>) dst(%dma_wait3A_22 : memref<2x512xf32, #tpu.memory_space<hbm>>)
      tpu.yield
    }) : () -> ()
    return
  }
}

module attributes {stable_mosaic.version = 14 : i64} {
  func.func @_matmul_kernel(%arg0: i32, %arg1: memref<1024x2048xf32, #tpu.memory_space<vmem>>, %arg2: memref<8x2048xf32, #tpu.memory_space<vmem>>, %arg3: memref<8x1024xf32, #tpu.memory_space<vmem>>) attributes {dimension_semantics = [#tpu.dimension_semantics<arbitrary>], iteration_bounds = array<i64: 16>, scalar_prefetch = 0 : i64, scratch_operands = 0 : i64, tpu.core_type = #tpu.core_type<tc>, window_params = [{transform_indices = @transform_0, window_bounds = array<i64: 1024, 2048>}, {pipeline_mode = #tpu.pipeline_mode<synchronous>, transform_indices = @transform_1, window_bounds = array<i64: 8, 2048>}, {transform_indices = @transform_2, window_bounds = array<i64: 8, 1024>}]} {
    %get3A = arith.constant 0 : index
    %get3A_0 = arith.constant 0 : index
    %get3A_1 = vector.load %arg2[%get3A, %get3A_0] : memref<8x2048xf32, #tpu.memory_space<vmem>>, vector<8x2048xf32>
    %get3A_2 = arith.constant 0 : index
    %get3A_3 = arith.constant 0 : index
    %get3A_4 = vector.load %arg1[%get3A_2, %get3A_3] : memref<1024x2048xf32, #tpu.memory_space<vmem>>, vector<1024x2048xf32>
    %dot_general3A = arith.constant dense<0.000000e+00> : vector<8x1024xf32>
    %dot_general3A_5 = tpu.matmul %get3A_1, %get3A_4, %dot_general3A {dimension_numbers = #tpu.dot_dimension_numbers<[1], [1], [0], [0], [0, 0, 1, 0], [], []>, transpose_lhs_hint = false} : vector<8x2048xf32>, vector<1024x2048xf32>, vector<8x1024xf32> -> vector<8x1024xf32>
    %swap3A = arith.constant 0 : index
    %swap3A_6 = arith.constant 0 : index
    %swap3A_7 = vector.load %arg3[%swap3A, %swap3A_6] : memref<8x1024xf32, #tpu.memory_space<vmem>>, vector<8x1024xf32>
    tpu.vector_store %arg3[%swap3A, %swap3A_6], %dot_general3A_5 {strides = array<i32>} : memref<8x1024xf32, #tpu.memory_space<vmem>>, vector<8x1024xf32>,
    return
  }
  func.func @transform_0(%arg0: i32) -> (i32, i32) {
    %c0_i32 = arith.constant 0 : i32
    %c0_i32_0 = arith.constant 0 : i32
    return %arg0, %c0_i32 : i32, i32
  }
  func.func @transform_1(%arg0: i32) -> (i32, i32) {
    %c0_i32 = arith.constant 0 : i32
    %c0_i32_0 = arith.constant 0 : i32
    %c0_i32_1 = arith.constant 0 : i32
    return %c0_i32, %c0_i32_0 : i32, i32
  }
  func.func @transform_2(%arg0: i32) -> (i32, i32) {
    %c0_i32 = arith.constant 0 : i32
    %c0_i32_0 = arith.constant 0 : i32
    return %c0_i32, %arg0 : i32, i32
  }
}

</mosaic_0001>

<sc_bundles>
// kernel: kernel.4.cloned.1.call-start
scs
__scs_entry_jumppad:
0x0: {  	(pc) =	sbr.rel $0x88, $3  }
0x1: {  	(tag) =	ssettag $0x0;
	lr =	simm.s32 $0x1  }
0x2: {  	[smem:$0x3F9F] =	sst lr;
	_ =	strace $0xD0000000  }
0x3: {  	_ = 	snop  }
0x4: {  	_ = 	snop  }
0x5: {  	_ = 	snop  }
0x6: {  	_ = 	snop  }
0x7: {  	_ = 	snop  }
__scs_overlays_trampoline_lowered:
0x8: {  	[smem:$0x3FAE] =	sst s0  }
0x9: {  	[smem:$0x3FAF] =	sst s1  }
0xa: {  	[smem:$0x3FB0] =	sst s2  }
0xb: {  	[smem:$0x3FB1] =	sst s3  }
0xc: {  	[smem:$0x3FB2] =	sst s4  }
0xd: {  	[smem:$0x3FB3] =	sst s5  }
0xe: {  	[smem:$0x3FB4] =	sst s6  }
0xf: {  	[smem:$0x3FB5] =	sst s7  }
0x10: {  	[smem:$0x3FB6] =	sst s8  }
0x11: {  	[smem:$0x3FB7] =	sst s9;
	s0 =	simm.s32 @!p0 $0x0  }
0x12: {  	s1 =	sld [smem:$0x3F9D];
	s0 =	simm.s32 @p0 $0x1  }
0x13: {  	[smem:$0x3FB8] =	sst s0;
	s0 =	simm.s32 @!p1 $0x0  }
0x14: {  	s2 =	sld [smem:$0x3F9C];
	s0 =	simm.s32 @p1 $0x1  }
0x15: {  	[smem:$0x3FB9] =	sst s0;
	s0 =	simm.s32 @!p2 $0x0  }
0x16: {  	s3 =	sld [smem:$0x3FDB];
	s0 =	simm.s32 @p2 $0x1  }
0x17: {  	s4 =	simm.s32 $0x1BF5;
	[smem:$0x3FBB] =	sst s0  }
0x18: {  	s0 =	sld [smem:$0x3F9E];
	_ =	swait.ge [sflag:s4], $0x0  }
0x19: {  	s7 =	sld [smem:$0x3F9F]  }
0x1a: {  	s8 =	sadd.s32 $0xFFFFE003, lr  }
0x1b: {  	s9 =	sadd.s32 $0xFFFFFEF7, lr;
	s5 =	simm.s32 $0xFFFFFFFF;
	p2 =	slt.u32 s8, $0xFFFFF086  }
0x1c: {  	p1 =	slt.u32 s9, $0xF7A;
	s5 =	simm.s32 @!p2 $0x0  }
0x1d: {  	s5 =	simm.s32 @p1 $0x1;
	p0 =	seq.s32 s7, s2  }
0x1e: {  	s7 =	smul.u32 @!p0 $0xF7A, s2;
	p2 =	seq.s32 @!p0 s5, $0x0  }
0x1f: {  	s9 =	smul.u32 $0xF7A, s1;
	s8 =	simm.s32 @!p0 $0x1BF5;
	p2 =	por !p2, p0  }
0x20: {  	[sflag:s8] =	ssyncset.s32 @!p0 $0xFFFFF086;
	s6 =	sadd.s32 @!p0 s3, s7;
	s7 =	simm.s32 @!p0 $0x108  }
0x21: {  	s3 =	sadd.s32 s3, s9;
	s6 =	sadd.s32 @!p0 $0x88, s6;
	s7 =	simm.s32 @p2 $0x1082  }
0x22: {  	[simem:s7], [sflag:s8] =	dma.local @!p0 [hbm:s6], $0xF7A  }
0x23: {  	s9 =	sor.u32 $0xD0000000, s2;
	s6 =	simm.s32 $0x108;
	_ =	swait.ge @!p0 [sflag:s8], $0x0  }
0x24: {  	s3 =	sadd.s32 $0x88, s3;
	s6 =	simm.s32 @!p1 $0x1082;
	[sflag:s4] =	ssyncset.s32 $0xFFFFF086  }
0x25: {  	[simem:s6], [sflag:s4] =	dma.local [hbm:s3], $0xF7A  }
0x26: {  	[smem:$0x3F9F] =	sst s1;
	(tag) =	ssettag s2;
	_ =	strace s9  }
0x27: {  	s1 =	sld [smem:$0x3FAF]  }
0x28: {  	s2 =	sld [smem:$0x3FB0]  }
0x29: {  	s4 =	sld [smem:$0x3FB2]  }
0x2a: {  	p0 =	seq.s32 s5, $0x0;
	s5 =	sld [smem:$0x3FB3]  }
0x2b: {  	s6 =	sld [smem:$0x3FB4]  }
0x2c: {  	s7 =	sld [smem:$0x3FB5]  }
0x2d: {  	s3 =	simm.s32 $0x108;
	s8 =	sld [smem:$0x3FB6]  }
0x2e: {  	s3 =	simm.s32 @!p0 $0x1082;
	s9 =	sld [smem:$0x3FB7]  }
0x2f: {  	lr =	sadd.s32 s0, s3;
	s0 =	sld [smem:$0x3FAE]  }
0x30: {  	s3 =	sld [smem:$0x3FB1]  }
0x31: {  	[smem:$0x3FBA] =	sst s10  }
0x32: {  	s10 =	sld [smem:$0x3FB8];
	_ =	sdelay $0x3  }
0x33: {  	p0 =	seq.s32 s10, $0x1;
	s10 =	sld [smem:$0x3FBA];
	_ =	sdelay $0x3  }
0x34: {  	[smem:$0x3FBA] =	sst s10  }
0x35: {  	s10 =	sld [smem:$0x3FB9];
	_ =	sdelay $0x3  }
0x36: {  	p1 =	seq.s32 s10, $0x1;
	s10 =	sld [smem:$0x3FBA];
	_ =	sdelay $0x3  }
0x37: {  	[smem:$0x3FBA] =	sst s10  }
0x38: {  	s10 =	sld [smem:$0x3FBB]  }
0x39: {  	_ = 	snop;
	(pc) =	sbr.ind lr, $3  }
0x3a: {  	_ = 	snop  }
0x3b: {  	_ = 	snop  }
0x3c: {  	p2 =	seq.s32 s10, $0x1;
	s10 =	sld [smem:$0x3FBA]  }
0x3d: {  	_ =	shalt  }
0x3e: {  	_ =	shalt  }
0x3f: {  	_ =	shalt  }
0x40: {  	_ =	shalt  }
0x41: {  	_ =	shalt  }
0x42: {  	_ =	shalt  }
0x43: {  	_ =	shalt  }
0x44: {  	_ =	shalt  }
0x45: {  	_ =	shalt  }
0x46: {  	_ =	shalt  }
0x47: {  	_ =	shalt  }
0x48: {  	_ =	shalt  }
0x49: {  	_ =	shalt  }
0x4a: {  	_ =	shalt  }
0x4b: {  	_ =	shalt  }
0x4c: {  	_ =	shalt  }
0x4d: {  	_ =	shalt  }
0x4e: {  	_ =	shalt  }
0x4f: {  	_ =	shalt  }
0x50: {  	_ =	shalt  }
0x51: {  	_ =	shalt  }
0x52: {  	_ =	shalt  }
0x53: {  	_ =	shalt  }
0x54: {  	_ =	shalt  }
0x55: {  	_ =	shalt  }
0x56: {  	_ =	shalt  }
0x57: {  	_ =	shalt  }
0x58: {  	_ =	shalt  }
0x59: {  	_ =	shalt  }
0x5a: {  	_ =	shalt  }
0x5b: {  	_ =	shalt  }
0x5c: {  	_ =	shalt  }
0x5d: {  	_ =	shalt  }
0x5e: {  	_ =	shalt  }
0x5f: {  	_ =	shalt  }
0x60: {  	_ =	shalt  }
0x61: {  	_ =	shalt  }
0x62: {  	_ =	shalt  }
0x63: {  	_ =	shalt  }
0x64: {  	_ =	shalt  }
0x65: {  	_ =	shalt  }
0x66: {  	_ =	shalt  }
0x67: {  	_ =	shalt  }
0x68: {  	_ =	shalt  }
0x69: {  	_ =	shalt  }
0x6a: {  	_ =	shalt  }
0x6b: {  	_ =	shalt  }
0x6c: {  	_ =	shalt  }
0x6d: {  	_ =	shalt  }
0x6e: {  	_ =	shalt  }
0x6f: {  	_ =	shalt  }
0x70: {  	_ =	shalt  }
0x71: {  	_ =	shalt  }
0x72: {  	_ =	shalt  }
0x73: {  	_ =	shalt  }
0x74: {  	_ =	shalt  }
0x75: {  	_ =	shalt  }
0x76: {  	_ =	shalt  }
0x77: {  	_ =	shalt  }
0x78: {  	_ =	shalt  }
0x79: {  	_ =	shalt  }
0x7a: {  	_ =	shalt  }
0x7b: {  	_ =	shalt  }
0x7c: {  	_ =	shalt  }
0x7d: {  	_ =	shalt  }
0x7e: {  	_ =	shalt  }
0x7f: {  	_ =	shalt  }
0x80: {  	_ =	shalt  }
0x81: {  	_ =	shalt  }
0x82: {  	_ =	shalt  }
0x83: {  	_ =	shalt  }
0x84: {  	_ =	shalt  }
0x85: {  	_ =	shalt  }
0x86: {  	_ =	shalt  }
0x87: {  	_ =	shalt  }
.Lfunc_end0:
.L_simem_size_0:
called_computation_lowered:
.L_overlay_start_0:
0x88: {  	s2 =	sld [smem:$0x3FD9]  }
0x89: {  	s3 =	sld [smem:$0x3FFE];
	_ =	sdelay $0x1  }
0x8a: {  	s1 =	srdreg.scid  }
0x8b: {  	s0 =	sand.u32 $0x1, s1  }
0x8c: {  	s14 =	sshll.u32 s0, $0xA;
	s2 =	sadd.s32 s3, s2  }
0x8d: {  	s2 =	sadd.s32 s2, s14  }
0x8e: {  	[smem:$0x3FC6] =	sst s2  }
0x8f: {  	_ = 	snop  }
0x90: {  	s2 =	sld [smem:$0x3FD0];
	_ =	sdelay $0x2  }
0x91: {  	s15 =	simm.s32 $0xA;
	s4 =	simm.s32 $0x10  }
0x92: {  	[smem:s4], [sflag:s15] =	dma.local [hbm:s2], $0x1  }
0x93: {  	_ =	swait.eq [sflag:s15], $0x1  }
0x94: {  	[sflag:s15] =	ssyncset.done $0x0  }
0x95: {  	s16 =	sld [smem:$0x10];
	[sflag:s15] =	ssyncadd.s32 $0xFFFFFFFF  }
0x96: {  	s17 =	sld [smem:$0x11];
	(tm) =	ssettm $0x1  }
0x97: {  	s18 =	sld [smem:$0x3FFB];
	_ =	sdelay $0x3  }
0x98: {  	_ =	strace s18  }
0x99: {  	s4 =	sld [smem:$0x3FFC];
	_ =	sdelay $0x3  }
0x9a: {  	_ =	strace s4  }
0x9b: {  	s4 =	sld [smem:$0x3FFD];
	_ =	sdelay $0x3  }
0x9c: {  	_ =	strace s4  }
0x9d: {  	_ =	strace $0x8FFFFFFF  }
0x9e: {  	s19 =	sld [smem:$0x3FDB];
	_ =	sdelay $0x1  }
0x9f: {  	s5 =	simm.s32 $_scs_section_size  }
0xa0: {  	s6 =	simm.s32 $_size__tile_overlayer_lowered;
	s7 =	simm.s32 $_tile_overlayer_lowered  }
0xa1: {  	s22 =	simm.s32 $0x1BFF;
	s21 =	sshll.u32 s7, $0x1;
	s4 =	sadd.s32 s5, s19  }
0xa2: {  	s8 =	simm.s32 $0x0;
	s20 =	sshll.u32 s6, $0x1;
	s6 =	sadd.s32 s21, s4  }
0xa3: {  	[timem:s8], [sflag:s22] =	dma.local [hbm:s6], s20  }
0xa4: {  	_ =	swait.ge [sflag:s22], s20  }
0xa5: {  	s5 =	ssub.s32 $0x0, s20;
	[sflag:s22] =	ssyncset.done $0x0  }
0xa6: {  	[sflag:s22] =	ssyncadd.s32 s5;
	_ =	sdelay $0x1  }
0xa7: {  	s23 =	simm.s32 $0x1B8B  }
0xa8: {  	_ =	swait.ge [sflag:s23], $0x1  }
0xa9: {  	[sflag:s23] =	ssyncset.done $0x0  }
0xaa: {  	s25 =	simm.s32 $0x1B8E;
	s24 =	sld [smem:$0x3FFE];
	[sflag:s23] =	ssyncadd.s32 $0xFFFFFFFF  }
0xab: {  	s26 =	simm.s32 $execute0_lowered;
	[smem:$0x3FD2] =	sst s25  }
0xac: {  	s6 =	sshll.u32 s26, $0x1;
	_ =	strace $0x80000046;
	[dreg:$0x1] =	wrdreg $0xFFFFFFFF  }
0xad: {  	s28 =	simm.s32 $_size_execute0_lowered;
	s4 =	sadd.s32 s4, s6;
	[dreg:$0x0] =	wrdreg $0x0  }
0xae: {  	s6 =	sshll.u32 s28, $0x1;
	[dreg:$0x2] =	wrdreg s4  }
0xaf: {  	[dreg:$0x3] =	wrdreg s6  }
0xb0: {  	[dreg:$0x4] =	wrdreg $0xC0  }
0xb1: {  	_ =	task [dreg:s8], $0x5FFFF  }
0xb2: {  	[dreg:$0x1] =	wrdreg $0xFFFFFFFF  }
0xb3: {  	[dreg:$0x0] =	wrdreg $0x60  }
0xb4: {  	[dreg:$0x2] =	wrdreg s24  }
0xb5: {  	[dreg:$0x3] =	wrdreg s16  }
0xb6: {  	[dreg:$0x4] =	wrdreg s17  }
0xb7: {  	[dreg:$0x5] =	wrdreg $0x9  }
0xb8: {  	_ =	task.clear_ibuf [dreg:s8], $0x6FFFF;
	_ =	strace $0x90000046  }
0xb9: {  	s29 =	simm.s32 $0x9;
	_ =	strace $0x80000048  }
0xba: {  	_ =	swait.ge [sflag:s29], $0x1  }
0xbb: {  	[sflag:s29] =	ssyncadd.s32 $0xFFFFFFFF  }
0xbc: {  	_ =	strace $0x90000048  }
0xbd: {  	_ =	sfence  }
0xbe: {  	s30 =	sld [smem:$0x0];
	_ =	sdelay $0x2  }
0xbf: {  	s31 =	sshll.u32 s1, $0xD;
	s1 =	sshrl.u32 s1, $0x2  }
0xc0: {  	s3 =	sand.u32 $0x4000, s31;
	s1 =	sadd.s32 s1, s30  }
0xc1: {  	s0 =	sor.u32 s3, s0;
	s1 =	sshll.u32 s1, $0x11  }
0xc2: {  	s0 =	sor.u32 s1, s0  }
0xc3: {  	s0 =	sadd.s32 $0x8F2B, s0  }
0xc4: {  	[sflag:s0] =	ssyncadd.remote.s32 $0x1  }
0xc5: {  	_ =	sfence.sel $0xFFFF  }
0xc6: {  	[dreg:$0x0] =	wrdreg $0xFFFFFFFF;
	(pc) =	sbr.abs _section_cstart, $3  }
0xc7: {  	[dreg:$0x1] =	wrdreg $0xFFFFFFFF  }
0xc8: {  	_ =	task.clear_ibuf [dreg:s8], $0x2FFFF;
	_ =	strace $0x9FFFFFFF  }
0xc9: {  	(tm) =	ssettm $0x7FFFFFFF  }
tec
execute0_lowered:
.L_overlay_start_1:
0x0: {  	(tag) =	ssettag $0x1  }
0x1: {  	s3 =	rddreg [dreg:$0x0]  }
0x2: {  	s4 =	rddreg [dreg:$0x1]  }
0x3: {  	s5 =	rddreg [dreg:$0x2]  }
0x4: {  	s0 =	rddreg [dreg:$0x3];
	s2 =	simm.s32 $0x0;
	s6 =	srdreg.scid  }
0x5: {  	s1 =	stileid.u32;
	s9 =	simm.s32 $0x2;
	s10 =	simm.s32 $0x1400  }
0x6: {  	s11 =	simm.s32 $0x0;
	[smem:$0x7FF] =	sst s2;
	s6 =	sand.u32 $0x1, s6  }
0x7: {  	s7 =	sshll.u32 s1, $0xA;
	s8 =	sshll.u32 s6, $0x9;
	s6 =	ssub.s32 $0x2, s6  }
0x8: {  	_ =	strace $0x80000047;
	s7 =	sor.u32 s8, s7;
	s31 =	sshrl.u32 s6, $0x1  }
0x9: {  	s8 =	simm.s32 $0x1000;
	s3 =	sadd.s32 s7, s3;
	s7 =	sshrl.u32 s7, $0x2  }
0xa: {  	s6 =	ssub.s32 s6, s31;
	s3 =	sadd.s32 $0xC00, s3;
	s4 =	sadd.s32 s4, s7  }
0xb: {  	v0 =	vimm.s32 $0x8;
	s5 =	sadd.s32 s5, s7;
	s6 =	smax.u32 s6, $0x1;
	s7 =	simm.s32 $0x1  }
.LBB2_1:
0xc: {  	[tilespmem:s2], [sflag:$0x1] =	stream.linear.gather [hbm4b:s3+s2], $0x1000, $0x38;
	[tilespmem:$0x1800] =	vst v63  }
0xd: {  	s13 =	simm.s32 $0x0;
	_ =	swait.ge [sflag:s7], $0x1000  }
0xe: {  	s12 =	sand.u32 $0x70, s2;
	s13 =	sand.u32 $0x3FFFFC00, s13;
	[sflag:s7] =	ssyncset.done $0x0  }
0xf: {  	s13 =	sor.u32 s12, s13;
	[sflag:s7] =	ssyncadd.s32 $0xFFFFF000  }
0x10: {  	v1 =	vld [tilespmem:s13+$0x0]  }
0x11: {  	v2 =	vld [tilespmem:s13+$0x80]  }
0x12: {  	v3 =	vld [tilespmem:s13+$0x100]  }
0x13: {  	v4 =	vld [tilespmem:s13+$0x180]  }
0x14: {  	v5 =	vld [tilespmem:s13+$0x200]  }
0x15: {  	v6 =	vld [tilespmem:s13+$0x280]  }
0x16: {  	v7 =	vld [tilespmem:s13+$0x300];
	v8 =	vmax.f32 v1, v2  }
0x17: {  	v9 =	vld [tilespmem:s13+$0x380];
	v10 =	vmax.f32 v8, v3  }
0x18: {  	v10 =	vmax.f32 v10, v4  }
0x19: {  	v10 =	vmax.f32 v10, v5  }
0x1a: {  	v10 =	vmax.f32 v10, v6  }
0x1b: {  	v10 =	vmax.f32 v10, v7  }
0x1c: {  	v10 =	vmax.f32 v10, v9  }
0x1d: {  	vm0 =	vne.f32 v1, v10;
	v11 =	vsub.f32 v1, v10  }
0x1e: {  	v12 =	vsub.f32 v2, v10;
	vm1 =	veq.f32 v9, v10;
	v13 =	vsub.f32 v3, v10  }
0x1f: {  	v14 =	vsub.f32 v9, v10;
	vm2 =	veq.f32 v2, v10;
	v11 =	vmul.f32 $1.442695020e+00, v11  }
0x20: {  	vm3 =	veq.f32 v7, v10;
	vm4 =	veq.f32 v6, v10;
	vm5 =	veq.f32 v5, v10  }
0x21: {  	v43 =	vsub.f32 v4, v10;
	v12 =	vmul.f32 $1.442695020e+00, v12;
	(erf) = vpow2.f32 v11  }
0x22: {  	vm13 =	veq.f32 v4, v10;
	vm14 =	veq.f32 v3, v10;
	v15 =	vsel vm1, $0x7, v0  }
0x23: {  	v13 =	vmul.f32 $1.442695020e+00, v13;
	v44 =	vsel vm3, $0x6, v15;
	(erf) = vpow2.f32 v12  }
0x24: {  	v45 =	vsub.f32 v5, v10;
	v46 =	vsub.f32 v6, v10;
	v12 =	vsel vm4, $0x5, v44  }
0x25: {  	v11 =	vmul.f32 $1.442695020e+00, v43;
	(erf) = vpow2.f32 v13;
	v12 =	vsel vm5, $0x4, v12  }
0x26: {  	v48 =	vsub.f32 v7, v10;
	vm15 =	vmand vm0, vm2;
	v12 =	vsel vm13, $0x3, v12  }
0x27: {  	v13 =	vmul.f32 $1.442695020e+00, v45;
	(erf) = vpow2.f32 v11;
	v12 =	vsel vm14, $0x2, v12  }
0x28: {  	v8 =	vsel vm15, v1, v8;
	v15 =	vmul.f32 $1.442695020e+00, v46;
	v47 =	vsel vm2, $0x1, v12  }
0x29: {  	v8 =	vsel vm0, v8, v2;
	(erf) = vpow2.f32 v13;
	v11 =	vnsel vm0, $0x0, v47  }
0x2a: {  	v49 =	vmax.f32 v8, v3;
	v12 =	vmul.f32 $1.442695020e+00, v48;
	vm6 =	veq.s32 v11, $0x2;
	v16 =	vpop (erf)  }
0x2b: {  	v8 =	vsel vm6, v8, v49;
	(erf) = vpow2.f32 v15;
	v50 =	vadd.f32 $0.0e+00, v16  }
0x2c: {  	v14 =	vmul.f32 $1.442695020e+00, v14;
	vm7 =	veq.s32 v11, $0x3;
	v8 =	vmax.f32 v8, v4;
	v51 =	vpop (erf)  }
0x2d: {  	(erf) = vpow2.f32 v12;
	v52 =	vsel vm7, v49, v8;
	v53 =	vadd.f32 v50, v51  }
0x2e: {  	vm8 =	veq.s32 v11, $0x4;
	v54 =	vpop (erf);
	v12 =	vmax.f32 v52, v5  }
0x2f: {  	(erf) = vpow2.f32 v14;
	v8 =	vsel vm8, v8, v12;
	v13 =	vadd.f32 v53, v54  }
0x30: {  	vm9 =	veq.s32 v11, $0x5;
	v55 =	vpop (erf);
	v8 =	vmax.f32 v8, v6  }
0x31: {  	v12 =	vsel vm9, v12, v8;
	v13 =	vadd.f32 v13, v55  }
0x32: {  	vm10 =	veq.s32 v11, $0x6;
	vm11 =	veq.s32 v11, $0x7;
	v56 =	vpop (erf);
	v12 =	vmax.f32 v12, v7  }
0x33: {  	vm1 =	vne.s32 v11, $0x1;
	v8 =	vsel vm10, v8, v12;
	v13 =	vadd.f32 v13, v56  }
0x34: {  	vm2 =	vne.s32 v11, $0x2;
	vm3 =	vne.s32 v11, $0x3;
	v8 =	vmax.f32 v8, v9;
	v57 =	vpop (erf)  }
0x35: {  	vm4 =	vne.s32 v11, $0x5;
	v8 =	vsel vm11, v12, v8;
	v58 =	vadd.f32 v13, v57  }
0x36: {  	vm12 =	vne.s32 v11, $0x4;
	vm6 =	vne.s32 v11, $0x6;
	v59 =	vpop (erf);
	v10 =	vsub.f32 v8, v10  }
0x37: {  	vm7 =	vne.s32 v11, $0x7;
	vm8 =	veq.f32 v9, v8;
	v12 =	vadd.f32 v58, v59  }
0x38: {  	vm13 =	veq.f32 v7, v8;
	vm14 =	veq.f32 v6, v8;
	v60 =	vpop (erf);
	v10 =	vmul.f32 $1.442695020e+00, v10  }
0x39: {  	vm15 =	veq.f32 v5, v8;
	vm7 =	vmand vm7, vm8;
	v12 =	vadd.f32 v12, v60  }
0x3a: {  	vm6 =	vmand vm6, vm13;
	v61 =	vsel vm7, $0x7, v0;
	(erf) = vpow2.f32 v10  }
0x3b: {  	vm4 =	vmand vm4, vm14;
	v62 =	vsel vm6, $0x6, v61;
	(erf) = vrcp.f32 v12  }
0x3c: {  	vm5 =	vmand vm12, vm15;
	vm12 =	veq.f32 v4, v8;
	v63 =	vsel vm4, $0x5, v62  }
0x3d: {  	vm13 =	veq.f32 v3, v8;
	vm3 =	vmand vm3, vm12;
	v3 =	vsel vm5, $0x4, v63  }
0x3e: {  	vm14 =	veq.f32 v2, v8;
	vm2 =	vmand vm2, vm13;
	v2 =	vsel vm3, $0x3, v3  }
0x3f: {  	vm15 =	veq.f32 v1, v8;
	vm1 =	vmand vm1, vm14;
	v1 =	vsel vm2, $0x2, v2  }
0x40: {  	s31 =	simm.s32 $0x0;
	vm0 =	vmand vm0, vm15;
	v1 =	vsel vm1, $0x1, v1  }
0x41: {  	s13 =	sand.u32 $0xFFFFFF00, s31;
	v1 =	vsel vm0, $0x0, v1  }
0x42: {  	s15 =	sor.u32 s12, s13  }
0x43: {  	[tilespmem:s15+$0x1000] =	vst v11;
	v2 =	vpop (erf)  }
0x44: {  	s16 =	simm.s32 $0x2;
	s12 =	simm.s32 $0x1;
	s13 =	simm.s32 $0x0;
	[tilespmem:s15+$0x1080] =	vst v1;
	v1 =	vpop (erf)  }
.LBB2_2:
0x45: {  	s18 =	sshll.u32 s12, $0x7  }
0x46: {  	v2 =	vmul.f32 v2, v1;
	s13 =	sadd.s32 $0x10, s13;
	s17 =	smov.u32 s16;
	s14 =	sadd.s32 $0x1, s16  }
0x47: {  	p0 =	sne.s32 s16, $0x1F;
	s16 =	sand.u32 $0x70, s13;
	s18 =	sand.u32 $0x3FFFFC00, s18;
	[tilespmem:s15+$0x1400] =	vst v1  }
0x48: {  	s18 =	sor.u32 s16, s18;
	[tilespmem:s15+$0x1480] =	vst v2  }
0x49: {  	v5 =	vld [tilespmem:s18+$0x100]  }
0x4a: {  	v1 =	vld [tilespmem:s18+$0x0]  }
0x4b: {  	v3 =	vld [tilespmem:s18+$0x80]  }
0x4c: {  	v2 =	vld [tilespmem:s18+$0x180]  }
0x4d: {  	v6 =	vld [tilespmem:s18+$0x200];
	_ =	sdelay $0x1  }
0x4e: {  	v4 =	vld [tilespmem:s18+$0x280]  }
0x4f: {  	v7 =	vld [tilespmem:s18+$0x300];
	v8 =	vmax.f32 v1, v3  }
0x50: {  	v9 =	vld [tilespmem:s18+$0x380];
	v10 =	vmax.f32 v8, v5  }
0x51: {  	v10 =	vmax.f32 v10, v2  }
0x52: {  	v10 =	vmax.f32 v10, v6  }
0x53: {  	v10 =	vmax.f32 v10, v4  }
0x54: {  	v10 =	vmax.f32 v10, v7  }
0x55: {  	v10 =	vmax.f32 v10, v9  }
0x56: {  	vm0 =	vne.f32 v1, v10;
	v11 =	vsub.f32 v1, v10;
	v12 =	vsub.f32 v3, v10  }
0x57: {  	vm2 =	veq.f32 v9, v10;
	v13 =	vsub.f32 v5, v10;
	v14 =	vsub.f32 v9, v10  }
0x58: {  	vm1 =	veq.f32 v3, v10;
	v11 =	vmul.f32 $1.442695020e+00, v11;
	v12 =	vmul.f32 $1.442695020e+00, v12  }
0x59: {  	vm3 =	veq.f32 v7, v10;
	vm4 =	veq.f32 v4, v10;
	v13 =	vmul.f32 $1.442695020e+00, v13  }
0x5a: {  	vm5 =	veq.f32 v6, v10;
	v15 =	vsub.f32 v2, v10;
	(erf) = vpow2.f32 v11  }
0x5b: {  	v11 =	vsel vm2, $0x7, v0;
	vm2 =	veq.f32 v2, v10;
	(erf) = vpow2.f32 v12  }
0x5c: {  	v11 =	vsel vm3, $0x6, v11;
	vm3 =	veq.f32 v5, v10;
	v12 =	vmul.f32 $1.442695020e+00, v15  }
0x5d: {  	v11 =	vsel vm4, $0x5, v11;
	vm4 =	vmand vm0, vm1;
	(erf) = vpow2.f32 v13  }
0x5e: {  	v11 =	vsel vm5, $0x4, v11;
	v8 =	vsel vm4, v1, v8;
	v13 =	vsub.f32 v6, v10  }
0x5f: {  	v15 =	vsub.f32 v4, v10;
	v11 =	vsel vm2, $0x3, v11;
	v8 =	vsel vm0, v8, v3  }
0x60: {  	s15 =	sshll.u32 s12, $0x5;
	s12 =	smov.u32 s17;
	v11 =	vsel vm3, $0x2, v11;
	v13 =	vmul.f32 $1.442695020e+00, v13;
	(erf) = vpow2.f32 v12  }
0x61: {  	s15 =	sand.u32 $0xFFFFFF00, s15;
	v17 =	vsub.f32 v7, v10;
	v11 =	vsel vm1, $0x1, v11;
	v12 =	vmul.f32 $1.442695020e+00, v15  }
0x62: {  	s15 =	sor.u32 s16, s15;
	v16 =	vmax.f32 v8, v5;
	v11 =	vnsel vm0, $0x0, v11;
	(erf) = vpow2.f32 v13  }
0x63: {  	vm1 =	veq.s32 v11, $0x2;
	v13 =	vmul.f32 $1.442695020e+00, v17;
	[tilespmem:s15+$0x1000] =	vst v11;
	v15 =	vpop (erf);
	(erf) = vpow2.f32 v12  }
0x64: {  	v14 =	vmul.f32 $1.442695020e+00, v14;
	v8 =	vsel vm1, v8, v16;
	v12 =	vadd.f32 $0.0e+00, v15;
	v15 =	vpop (erf)  }
0x65: {  	vm1 =	veq.s32 v11, $0x3;
	v8 =	vmax.f32 v8, v2;
	(erf) = vpow2.f32 v13  }
0x66: {  	v13 =	vsel vm1, v16, v8;
	v12 =	vadd.f32 v12, v15;
	v15 =	vpop (erf)  }
0x67: {  	vm2 =	veq.s32 v11, $0x4;
	vm1 =	vne.s32 v11, $0x1;
	v13 =	vmax.f32 v13, v6  }
0x68: {  	v8 =	vsel vm2, v8, v13;
	v12 =	vadd.f32 v12, v15;
	(erf) = vpow2.f32 v14  }
0x69: {  	vm3 =	veq.s32 v11, $0x5;
	vm2 =	vne.s32 v11, $0x2;
	v8 =	vmax.f32 v8, v4;
	v14 =	vpop (erf)  }
0x6a: {  	v13 =	vsel vm3, v13, v8;
	vm3 =	vne.s32 v11, $0x3;
	v12 =	vadd.f32 v12, v14  }
0x6b: {  	vm5 =	veq.s32 v11, $0x6;
	vm4 =	vne.s32 v11, $0x5;
	v13 =	vmax.f32 v13, v7;
	v14 =	vpop (erf)  }
0x6c: {  	v8 =	vsel vm5, v8, v13;
	vm5 =	vne.s32 v11, $0x4;
	v15 =	vadd.f32 v12, v14;
	v14 =	vpop (erf)  }
0x6d: {  	vm6 =	veq.s32 v11, $0x7;
	vm7 =	vne.s32 v11, $0x6;
	v8 =	vmax.f32 v8, v9  }
0x6e: {  	v8 =	vsel vm6, v13, v8;
	vm6 =	vne.s32 v11, $0x7;
	v11 =	vadd.f32 v15, v14;
	v12 =	vpop (erf)  }
0x6f: {  	vm8 =	veq.f32 v9, v8;
	vm9 =	veq.f32 v5, v8;
	v5 =	vsub.f32 v8, v10  }
0x70: {  	vm6 =	vmand vm6, vm8;
	vm8 =	veq.f32 v6, v8;
	v6 =	vadd.f32 v11, v12  }
0x71: {  	v9 =	vsel vm6, $0x7, v0;
	vm6 =	veq.f32 v7, v8;
	v5 =	vmul.f32 $1.442695020e+00, v5;
	v7 =	vpop (erf)  }
0x72: {  	vm6 =	vmand vm7, vm6;
	vm7 =	veq.f32 v4, v8;
	v4 =	vadd.f32 v6, v7  }
0x73: {  	v6 =	vsel vm6, $0x6, v9;
	vm6 =	veq.f32 v3, v8;
	(erf) = vpow2.f32 v5  }
0x74: {  	vm5 =	vmand vm5, vm8;
	vm8 =	veq.f32 v2, v8;
	(erf) = vrcp.f32 v4  }
0x75: {  	vm2 =	vmand vm2, vm9;
	vm3 =	vmand vm3, vm8;
	vm4 =	vmand vm4, vm7  }
0x76: {  	v2 =	vsel vm4, $0x5, v6;
	vm1 =	vmand vm1, vm6;
	vm4 =	veq.f32 v1, v8  }
0x77: {  	v1 =	vsel vm5, $0x4, v2;
	vm0 =	vmand vm0, vm4  }
0x78: {  	v1 =	vsel vm3, $0x3, v1  }
.Ltmp0:
0x79: {  	v1 =	vsel vm2, $0x2, v1;
	(pc) =	sbr.rel @p0 .LBB2_2-.Ltmp0, $4  }
0x7a: {  	v1 =	vsel vm1, $0x1, v1  }
0x7b: {  	v3 =	vsel vm0, $0x0, v1  }
0x7c: {  	[tilespmem:s15+$0x1080] =	vst v3;
	v2 =	vpop (erf)  }
0x7d: {  	s16 =	smov.u32 s14;
	v1 =	vpop (erf)  }
0x7e: {  	s14 =	sshll.u32 s12, $0x7;
	v2 =	vmul.f32 v2, v1;
	s13 =	sadd.s32 $0x10, s13  }
0x7f: {  	[tilespmem:s15+$0x1400] =	vst v1;
	s13 =	sand.u32 $0x70, s13;
	s14 =	sand.u32 $0x3FFFFC00, s14  }
0x80: {  	s14 =	sor.u32 s13, s14;
	[tilespmem:s15+$0x1480] =	vst v2  }
0x81: {  	v1 =	vld [tilespmem:s14+$0x0]  }
0x82: {  	v2 =	vld [tilespmem:s14+$0x80]  }
0x83: {  	v3 =	vld [tilespmem:s14+$0x100]  }
0x84: {  	v4 =	vld [tilespmem:s14+$0x180]  }
0x85: {  	v5 =	vld [tilespmem:s14+$0x200]  }
0x86: {  	v6 =	vld [tilespmem:s14+$0x280]  }
0x87: {  	v7 =	vld [tilespmem:s14+$0x300];
	v8 =	vmax.f32 v1, v2  }
0x88: {  	v9 =	vld [tilespmem:s14+$0x380];
	v10 =	vmax.f32 v8, v3  }
0x89: {  	v10 =	vmax.f32 v10, v4  }
0x8a: {  	v10 =	vmax.f32 v10, v5  }
0x8b: {  	v10 =	vmax.f32 v10, v6  }
0x8c: {  	v10 =	vmax.f32 v10, v7  }
0x8d: {  	v10 =	vmax.f32 v10, v9  }
0x8e: {  	vm0 =	vne.f32 v1, v10;
	v11 =	vsub.f32 v1, v10  }
0x8f: {  	v12 =	vsub.f32 v2, v10;
	vm1 =	veq.f32 v9, v10;
	v13 =	vsub.f32 v3, v10  }
0x90: {  	v14 =	vsub.f32 v9, v10;
	vm2 =	veq.f32 v2, v10;
	v11 =	vmul.f32 $1.442695020e+00, v11  }
0x91: {  	vm3 =	veq.f32 v7, v10;
	vm4 =	veq.f32 v6, v10;
	vm5 =	veq.f32 v5, v10  }
0x92: {  	v43 =	vsub.f32 v4, v10;
	v12 =	vmul.f32 $1.442695020e+00, v12;
	(erf) = vpow2.f32 v11  }
0x93: {  	vm13 =	veq.f32 v4, v10;
	vm14 =	veq.f32 v3, v10;
	v15 =	vsel vm1, $0x7, v0  }
0x94: {  	v13 =	vmul.f32 $1.442695020e+00, v13;
	v44 =	vsel vm3, $0x6, v15;
	(erf) = vpow2.f32 v12  }
0x95: {  	v45 =	vsub.f32 v5, v10;
	v46 =	vsub.f32 v6, v10;
	v12 =	vsel vm4, $0x5, v44  }
0x96: {  	v11 =	vmul.f32 $1.442695020e+00, v43;
	(erf) = vpow2.f32 v13;
	v12 =	vsel vm5, $0x4, v12  }
0x97: {  	v48 =	vsub.f32 v7, v10;
	vm15 =	vmand vm0, vm2;
	v12 =	vsel vm13, $0x3, v12  }
0x98: {  	v13 =	vmul.f32 $1.442695020e+00, v45;
	(erf) = vpow2.f32 v11;
	v12 =	vsel vm14, $0x2, v12  }
0x99: {  	v8 =	vsel vm15, v1, v8;
	v15 =	vmul.f32 $1.442695020e+00, v46;
	v47 =	vsel vm2, $0x1, v12  }
0x9a: {  	v8 =	vsel vm0, v8, v2;
	(erf) = vpow2.f32 v13;
	v11 =	vnsel vm0, $0x0, v47  }
0x9b: {  	v49 =	vmax.f32 v8, v3;
	v12 =	vmul.f32 $1.442695020e+00, v48;
	vm6 =	veq.s32 v11, $0x2;
	v16 =	vpop (erf)  }
0x9c: {  	v8 =	vsel vm6, v8, v49;
	(erf) = vpow2.f32 v15;
	v50 =	vadd.f32 $0.0e+00, v16  }
0x9d: {  	v14 =	vmul.f32 $1.442695020e+00, v14;
	vm7 =	veq.s32 v11, $0x3;
	v8 =	vmax.f32 v8, v4;
	v51 =	vpop (erf)  }
0x9e: {  	(erf) = vpow2.f32 v12;
	v52 =	vsel vm7, v49, v8;
	v53 =	vadd.f32 v50, v51  }
0x9f: {  	vm8 =	veq.s32 v11, $0x4;
	v54 =	vpop (erf);
	v12 =	vmax.f32 v52, v5  }
0xa0: {  	(erf) = vpow2.f32 v14;
	v8 =	vsel vm8, v8, v12;
	v13 =	vadd.f32 v53, v54  }
0xa1: {  	vm9 =	veq.s32 v11, $0x5;
	v55 =	vpop (erf);
	v8 =	vmax.f32 v8, v6  }
0xa2: {  	v12 =	vsel vm9, v12, v8;
	v13 =	vadd.f32 v13, v55  }
0xa3: {  	vm10 =	veq.s32 v11, $0x6;
	v56 =	vpop (erf);
	v12 =	vmax.f32 v12, v7  }
0xa4: {  	v8 =	vsel vm10, v8, v12;
	v13 =	vadd.f32 v13, v56  }
0xa5: {  	vm11 =	veq.s32 v11, $0x7;
	v8 =	vmax.f32 v8, v9;
	v57 =	vpop (erf)  }
0xa6: {  	v8 =	vsel vm11, v12, v8;
	v58 =	vadd.f32 v13, v57  }
0xa7: {  	v59 =	vpop (erf);
	v10 =	vsub.f32 v8, v10  }
0xa8: {  	v12 =	vadd.f32 v58, v59  }
0xa9: {  	vm3 =	vne.s32 v11, $0x3;
	vm4 =	vne.s32 v11, $0x5;
	v60 =	vpop (erf);
	v10 =	vmul.f32 $1.442695020e+00, v10  }
0xaa: {  	vm5 =	vne.s32 v11, $0x4;
	vm6 =	vne.s32 v11, $0x7;
	v12 =	vadd.f32 v12, v60  }
0xab: {  	vm8 =	vne.s32 v11, $0x6;
	vm7 =	veq.f32 v9, v8;
	(erf) = vpow2.f32 v10  }
0xac: {  	vm12 =	veq.f32 v7, v8;
	vm6 =	vmand vm6, vm7;
	(erf) = vrcp.f32 v12  }
0xad: {  	vm14 =	veq.f32 v6, v8;
	vm13 =	vmand vm8, vm12;
	v61 =	vsel vm6, $0x7, v0  }
0xae: {  	vm15 =	veq.f32 v5, v8;
	vm4 =	vmand vm4, vm14;
	v62 =	vsel vm13, $0x6, v61  }
0xaf: {  	vm5 =	vmand vm5, vm15;
	vm12 =	veq.f32 v4, v8;
	v63 =	vsel vm4, $0x5, v62  }
0xb0: {  	vm3 =	vmand vm3, vm12;
	vm13 =	veq.f32 v3, v8;
	v3 =	vsel vm5, $0x4, v63  }
0xb1: {  	vm2 =	vne.s32 v11, $0x2;
	vm14 =	veq.f32 v2, v8;
	v2 =	vsel vm3, $0x3, v3  }
0xb2: {  	s31 =	sshll.u32 s12, $0x5;
	vm1 =	vne.s32 v11, $0x1;
	vm2 =	vmand vm2, vm13  }
0xb3: {  	s12 =	sand.u32 $0xFFFFFF00, s31;
	vm15 =	veq.f32 v1, v8;
	vm1 =	vmand vm1, vm14;
	v1 =	vsel vm2, $0x2, v2  }
0xb4: {  	s12 =	sor.u32 s13, s12;
	vm0 =	vmand vm0, vm15;
	v1 =	vsel vm1, $0x1, v1;
	v2 =	vpop (erf)  }
0xb5: {  	[tilespmem:s12+$0x1000] =	vst v11;
	v1 =	vsel vm0, $0x0, v1;
	v3 =	vpop (erf)  }
0xb6: {  	[tilespmem:s12+$0x1080] =	vst v1;
	v1 =	vmul.f32 v2, v3  }
0xb7: {  	[tilespmem:s12+$0x1400] =	vst v3  }
0xb8: {  	[tilespmem:s12+$0x1480] =	vst v1  }
0xb9: {  	[hbm4b:s4+s2] =	stream.linear.scatter [tilespmem:s8], [sflag:$0x2], $0x400, $0x38;
	[tilespmem:$0x1800] =	vst v63  }
0xba: {  	s11 =	sadd.s32 $0x1, s11;
	_ =	swait.ge [sflag:s9], $0x400  }
0xbb: {  	p0 =	sne.s32 s11, s6;
	[sflag:s9] =	ssyncset.done $0x0  }
.Ltmp1:
0xbc: {  	[sflag:s9] =	ssyncadd.s32 $0xFFFFFC00;
	(pc) =	sbr.rel @p0 .LBB2_1-.Ltmp1, $4  }
0xbd: {  	[hbm4b:s5+s2] =	stream.linear.scatter [tilespmem:s10], [sflag:$0x2], $0x400, $0x38;
	[tilespmem:$0x1800] =	vst v63  }
0xbe: {  	_ =	swait.ge [sflag:s9], $0x400  }
0xbf: {  	[sflag:s9] =	ssyncset.done $0x0  }
0xc0: {  	[sflag:s9] =	ssyncadd.s32 $0xFFFFFC00  }
0xc1: {  	_ =	sfence.sel $0x180000  }
0xc2: {  	[bflag:$0x0] =	sbarrier.arrive $0xFFFF  }
0xc3: {  	p0 =	sne.s32 s1, $0x0;
	_ =	strace $0x90000047  }
0xc4: {  	s0 =	sadd.s32 @!p0 $0x100000, s0;
	[bflag:$0x2] =	sbarrier.arrive $0xFFFF  }
0xc5: {  	[sflag:s0] =	ssyncadd.tile.s32 @!p0 $0x1;
	_ =	shalt  }
.Lfunc_end2:
_tile_overlayer_lowered:
.L_overlay_start_2:
0xc6: {  	(tag) =	ssettag $0x2  }
0xc7: {  	s0 =	rddreg [dreg:$0x0];
	s2 =	stileid.u32  }
0xc8: {  	s1 =	rddreg [dreg:$0x1];
	p0 =	sne.s32 s2, $0x0  }
0xc9: {  	s3 =	rddreg [dreg:$0x2];
	[bflag:$0x3] =	sbarrier.arrive $0xFFFF;
	s2 =	simm.s32 @!p0 $0x1C02  }
0xca: {  	[timem:s3], [sflag:s2] =	dma.local @!p0 [hbm:s0], s1  }
0xcb: {  	s0 =	simm.s32 @!p0 $0x2  }
0xcc: {  	_ =	swait.ge @!p0 [sflag:s0], s1  }
0xcd: {  	s1 =	ssub.s32 @!p0 $0x0, s1;
	[sflag:s0] =	ssyncset.done @!p0 $0x0  }
0xce: {  	[sflag:s0] =	ssyncadd.s32 @!p0 s1  }
0xcf: {  	[bflag:$0x3] =	sbarrier.arrive $0xFFFF  }
0xd0: {  	_ =	shalt  }

</sc_bundles>
